<compile_context>
chip_gen: v7x
topology: tpu7x:2x2x1
jax: 0.10.2.dev20260603
libtpu: 0.0.44.dev20260713+nightly
codegen_flags: <defaults>
</compile_context>

<pallas_src>
import jax
import jax.numpy as jnp
from jax import lax
from jax.experimental import pallas as pl
from jax.experimental.pallas import tpu as pltpu
from jax.experimental.pallas import tpu_sc as plsc

B = 16
N = 4096
L = 16
CHUNKS = N // L
UNROLL = 8


def _sc_body(b_hbm, tid_hbm, rows_hbm, b_v, rows_v, tid_v):
    row = lax.axis_index("s")
    pltpu.sync_copy(b_hbm.at[row], b_v)
    pltpu.sync_copy(tid_hbm, tid_v)
    tid = tid_v[...]
    zeros_i = jnp.zeros((L,), jnp.int32)
    ones_i = jnp.ones((L,), jnp.int32)
    iota = lax.iota(jnp.int32, L)

    def body(g, n_vec):
        base = g * (UNROLL * L)
        offs = [base + k * L for k in range(UNROLL)]
        vs = [b_v[pl.ds(o, L)] for o in offs]
        ms = [v == tid for v in vs]
        cums = [plsc.cumsum(jnp.where(m, ones_i, zeros_i)) for m in ms]
        pcs = [plsc.all_reduce_population_count(m) for m in ms]
        n_k = n_vec
        for k in range(UNROLL):
            rows_v[pl.ds(offs[k], L)] = zeros_i
            pos = n_k + cums[k] - 1
            plsc.store_scatter(rows_v, [pos], iota + offs[k], mask=ms[k])
            n_k = n_k + pcs[k]
        return n_k

    lax.fori_loop(0, CHUNKS // UNROLL, body, zeros_i)
    pltpu.sync_copy(rows_v, rows_hbm.at[row])


_sc_call = pl.kernel(
    _sc_body,
    out_type=jax.ShapeDtypeStruct((B, N), jnp.int32),
    mesh=plsc.VectorSubcoreMesh(
        core_axis_name="c", subcore_axis_name="s", num_cores=1),
    scratch_types=[
        pltpu.VMEM((N,), jnp.float32),
        pltpu.VMEM((N,), jnp.int32),
        pltpu.VMEM((L,), jnp.float32),
    ],
    compiler_params=pltpu.CompilerParams(
        needs_layout_passes=False, use_tc_tiling_on_sc=False),
)


def _tc_diff_body(b_ref, tid_ref, o_ref):
    o_ref[...] = jnp.where(b_ref[...] == tid_ref[0, 0], 1.0, 0.0)


def _tc_diff(b, tid_arr):
    return pl.pallas_call(
        _tc_diff_body,
        out_shape=jax.ShapeDtypeStruct((B, N), jnp.float32),
        in_specs=[
            pl.BlockSpec((B, N), lambda: (0, 0)),
            pl.BlockSpec(memory_space=pltpu.SMEM),
        ],
        out_specs=pl.BlockSpec((B, N), lambda: (0, 0)),
    )(b, tid_arr)


def kernel(block_id, target_id):
    b = jnp.squeeze(block_id, -1)
    tidf = jnp.asarray(target_id, jnp.float32) + 1.0
    tid_vec = jnp.broadcast_to(tidf, (L,))
    rows = _sc_call(b, tid_vec)
    diff = _tc_diff(b, tidf.reshape(1, 1))
    return diff.reshape(B, N, 1, 1), rows

# --- scband reference (transcript-rebuilt; emitter-appended) ---
"""Pipeline reference for scband-filter-model-v2-25237227831812 (READ-ONLY COPY).

The authoritative reference and input builder live on the scoring server;
editing this copy changes nothing except your own understanding.
"""

import jax, jax.numpy as jnp
import numpy as np


def setup_inputs(seed: int = 0) -> dict:
    key = jax.random.key(seed)
    # block_id must have an EQUAL number of entries == (target_id+1) in every batch row,
    # otherwise the original torch.stack over per-row nonzero() fails. With fill=ones and
    # target_id=0 (so target becomes 1), every position matches.
    block_id = jnp.ones((16, 4096, 1), dtype=jnp.float32)
    target_id = 0
    return {"block_id": block_id, "target_id": target_id}


def reference(block_id, target_id):
    # target_id += 1
    tid = target_id + 1
    # block_id = block_id.squeeze(-1)
    b = jnp.squeeze(block_id, -1)
    # block_id_cp = block_id.clone().detach(); block_id_cp[block_id_cp == tid] = 0
    b_cp = jax.lax.stop_gradient(jnp.where(b == tid, jnp.zeros_like(b), b))
    # block_diff = (block_id - block_id_cp) / tid
    block_diff = (b - b_cp) / tid
    # per-batch-row nonzero indices, then stack (requires equal counts per row)
    indices = []
    for i in range(block_diff.shape[0]):
        rows_i = jnp.nonzero(block_diff[i], size=block_diff.shape[1])[0].reshape(-1)
        indices.append(rows_i)
    rows = jnp.stack(indices)
    if rows.shape[1] < 20:
        rows = jnp.concatenate([rows, jnp.zeros((100, 20 - rows.shape[1]), dtype=rows.dtype)], axis=1)
    return (block_diff[..., None, None], rows)

if __name__ == "__main__":
    import jax
    _d = setup_inputs()
    print(jax.jit(kernel)(*tuple(_d.values())))

</pallas_src>

<mosaic_0001>
#map = affine_map<(d0, d1) -> (0, 0)>
#map1 = affine_map<(d0, d1) -> (0)>
module attributes {stable_mosaic.version = 14 : i64} {
  func.func @_sc_body(%arg0: i32, %arg1: i32, %arg2: memref<16x4096xf32, #tpu.memory_space<hbm>>, %arg3: memref<16xf32, #tpu.memory_space<hbm>>, %arg4: memref<16x4096xi32, #tpu.memory_space<hbm>>, %arg5: memref<4096xf32, #tpu.memory_space<vmem>>, %arg6: memref<4096xi32, #tpu.memory_space<vmem>>, %arg7: memref<16xf32, #tpu.memory_space<vmem>>) attributes {dimension_semantics = [#tpu.dimension_semantics<core_parallel>, #tpu.dimension_semantics<subcore_parallel>], iteration_bounds = array<i64: 1, 16>, scalar_prefetch = 0 : i64, scratch_operands = 3 : i64, tpu.core_type = #tpu.core_type<sc_vector_subcore>, window_params = [{transform_indices = #map}, {transform_indices = #map1}, {transform_indices = #map}]} {
    "tpu.region"() ({
      %run_scoped3A = tpu.sem_alloc : memref<!tpu.dma_semaphore, #tpu.memory_space<semaphore_mem>>
      %dma_start3A = arith.constant 0 : i32
      %dma_start3A_9 = tpu.memref_slice %arg2[%arg1, %dma_start3A] : memref<16x4096xf32, #tpu.memory_space<hbm>> -> memref<1x4096xf32, #tpu.memory_space<hbm>>
      %dma_start3A_10 = tpu.memref_squeeze %dma_start3A_9 : memref<1x4096xf32, #tpu.memory_space<hbm>> -> memref<4096xf32, #tpu.memory_space<hbm>>
      %dma_start3A_11 = arith.constant 0 : i32
      %dma_start3A_12 = tpu.memref_slice %arg2[%arg1, %dma_start3A_11] : memref<16x4096xf32, #tpu.memory_space<hbm>> -> memref<1x4096xf32, #tpu.memory_space<hbm>>
      %dma_start3A_13 = tpu.memref_squeeze %dma_start3A_12 : memref<1x4096xf32, #tpu.memory_space<hbm>> -> memref<4096xf32, #tpu.memory_space<hbm>>
      tpu.enqueue_dma source(%dma_start3A_13 : memref<4096xf32, #tpu.memory_space<hbm>>) target(%arg5 : memref<4096xf32, #tpu.memory_space<vmem>>) target_semaphore(%run_scoped3A : memref<!tpu.dma_semaphore, #tpu.memory_space<semaphore_mem>>)
      %dma_wait3A = arith.constant 0 : i32
      %dma_wait3A_14 = tpu.memref_slice %arg2[%arg1, %dma_wait3A] : memref<16x4096xf32, #tpu.memory_space<hbm>> -> memref<1x4096xf32, #tpu.memory_space<hbm>>
      %dma_wait3A_15 = tpu.memref_squeeze %dma_wait3A_14 : memref<1x4096xf32, #tpu.memory_space<hbm>> -> memref<4096xf32, #tpu.memory_space<hbm>>
      %dma_wait3A_16 = arith.constant 0 : i32
      %dma_wait3A_17 = tpu.memref_slice %arg2[%arg1, %dma_wait3A_16] : memref<16x4096xf32, #tpu.memory_space<hbm>> -> memref<1x4096xf32, #tpu.memory_space<hbm>>
      %dma_wait3A_18 = tpu.memref_squeeze %dma_wait3A_17 : memref<1x4096xf32, #tpu.memory_space<hbm>> -> memref<4096xf32, #tpu.memory_space<hbm>>
      tpu.wait_dma2 semaphore(%run_scoped3A : memref<!tpu.dma_semaphore, #tpu.memory_space<semaphore_mem>>) src(%dma_wait3A_18 : memref<4096xf32, #tpu.memory_space<hbm>>) dst(%arg5 : memref<4096xf32, #tpu.memory_space<vmem>>)
      tpu.yield
    }) : () -> ()
    "tpu.region"() ({
      %run_scoped3A = tpu.sem_alloc : memref<!tpu.dma_semaphore, #tpu.memory_space<semaphore_mem>>
      tpu.enqueue_dma source(%arg3 : memref<16xf32, #tpu.memory_space<hbm>>) target(%arg7 : memref<16xf32, #tpu.memory_space<vmem>>) target_semaphore(%run_scoped3A : memref<!tpu.dma_semaphore, #tpu.memory_space<semaphore_mem>>)
      tpu.wait_dma2 semaphore(%run_scoped3A : memref<!tpu.dma_semaphore, #tpu.memory_space<semaphore_mem>>) src(%arg3 : memref<16xf32, #tpu.memory_space<hbm>>) dst(%arg7 : memref<16xf32, #tpu.memory_space<vmem>>)
      tpu.yield
    }) : () -> ()
    %get3A = arith.constant 0 : index
    %get3A_0 = tpu.vector_load %arg7[%get3A] {strides = array<i32>} : memref<16xf32, #tpu.memory_space<vmem>>, vector<16xf32>,
    %broadcast_in_dim3A = arith.constant 0 : i32
    %broadcast_in_dim3A_1 = vector.broadcast %broadcast_in_dim3A : i32 to vector<16xi32>
    %broadcast_in_dim3A_2 = arith.constant 1 : i32
    %broadcast_in_dim3A_3 = vector.broadcast %broadcast_in_dim3A_2 : i32 to vector<16xi32>
    %iota3A = tpu.iota {dimensions = array<i32: 0>} : vector<16xi32>
    %scan3A = arith.constant 0 : i32
    %scan3A_4 = arith.constant 32 : i32
    %scan3A_5 = arith.addi %scan3A, %scan3A_4 : i32
    %scan3A_6 = arith.constant 1 : i32
    %scan3A_7 = scf.for %scan3A_9 = %scan3A to %scan3A_5 step %scan3A_6 iter_args(%scan3A_10 = %broadcast_in_dim3A_1) -> (vector<16xi32>)  : i32 {
      %mul3A = arith.constant 128 : i32
      %mul3A_11 = arith.muli %scan3A_9, %mul3A : i32
      %add3A = arith.constant 0 : i32
      %add3A_12 = arith.addi %mul3A_11, %add3A : i32
      %add3A_13 = arith.constant 16 : i32
      %add3A_14 = arith.addi %mul3A_11, %add3A_13 : i32
      %add3A_15 = arith.constant 32 : i32
      %add3A_16 = arith.addi %mul3A_11, %add3A_15 : i32
      %add3A_17 = arith.constant 48 : i32
      %add3A_18 = arith.addi %mul3A_11, %add3A_17 : i32
      %add3A_19 = arith.constant 64 : i32
      %add3A_20 = arith.addi %mul3A_11, %add3A_19 : i32
      %add3A_21 = arith.constant 80 : i32
      %add3A_22 = arith.addi %mul3A_11, %add3A_21 : i32
      %add3A_23 = arith.constant 96 : i32
      %add3A_24 = arith.addi %mul3A_11, %add3A_23 : i32
      %add3A_25 = arith.constant 112 : i32
      %add3A_26 = arith.addi %mul3A_11, %add3A_25 : i32
      %get3A_27 = arith.index_cast %add3A_12 : i32 to index
      %get3A_28 = tpu.vector_load %arg5[%get3A_27] {strides = array<i32>} : memref<4096xf32, #tpu.memory_space<vmem>>, vector<16xf32>,
      %get3A_29 = arith.index_cast %add3A_14 : i32 to index
      %get3A_30 = tpu.vector_load %arg5[%get3A_29] {strides = array<i32>} : memref<4096xf32, #tpu.memory_space<vmem>>, vector<16xf32>,
      %get3A_31 = arith.index_cast %add3A_16 : i32 to index
      %get3A_32 = tpu.vector_load %arg5[%get3A_31] {strides = array<i32>} : memref<4096xf32, #tpu.memory_space<vmem>>, vector<16xf32>,
      %get3A_33 = arith.index_cast %add3A_18 : i32 to index
      %get3A_34 = tpu.vector_load %arg5[%get3A_33] {strides = array<i32>} : memref<4096xf32, #tpu.memory_space<vmem>>, vector<16xf32>,
      %get3A_35 = arith.index_cast %add3A_20 : i32 to index
      %get3A_36 = tpu.vector_load %arg5[%get3A_35] {strides = array<i32>} : memref<4096xf32, #tpu.memory_space<vmem>>, vector<16xf32>,
      %get3A_37 = arith.index_cast %add3A_22 : i32 to index
      %get3A_38 = tpu.vector_load %arg5[%get3A_37] {strides = array<i32>} : memref<4096xf32, #tpu.memory_space<vmem>>, vector<16xf32>,
      %get3A_39 = arith.index_cast %add3A_24 : i32 to index
      %get3A_40 = tpu.vector_load %arg5[%get3A_39] {strides = array<i32>} : memref<4096xf32, #tpu.memory_space<vmem>>, vector<16xf32>,
      %get3A_41 = arith.index_cast %add3A_26 : i32 to index
      %get3A_42 = tpu.vector_load %arg5[%get3A_41] {strides = array<i32>} : memref<4096xf32, #tpu.memory_space<vmem>>, vector<16xf32>,
      %eq3A = arith.cmpf oeq, %get3A_28, %get3A_0 : vector<16xf32>
      %eq3A_43 = arith.cmpf oeq, %get3A_30, %get3A_0 : vector<16xf32>
      %eq3A_44 = arith.cmpf oeq, %get3A_32, %get3A_0 : vector<16xf32>
      %eq3A_45 = arith.cmpf oeq, %get3A_34, %get3A_0 : vector<16xf32>
      %eq3A_46 = arith.cmpf oeq, %get3A_36, %get3A_0 : vector<16xf32>
      %eq3A_47 = arith.cmpf oeq, %get3A_38, %get3A_0 : vector<16xf32>
      %eq3A_48 = arith.cmpf oeq, %get3A_40, %get3A_0 : vector<16xf32>
      %eq3A_49 = arith.cmpf oeq, %get3A_42, %get3A_0 : vector<16xf32>
      %select_n3A = arith.select %eq3A, %broadcast_in_dim3A_3, %broadcast_in_dim3A_1 : vector<16xi1>, vector<16xi32>
      %broadcast_in_dim3A_50 = arith.constant true
      %broadcast_in_dim3A_51 = vector.broadcast %broadcast_in_dim3A_50 : i1 to vector<16xi1>
      %masked_cumsum3A = tpu.scan <sum>, %select_n3A masked %broadcast_in_dim3A_51 : vector<16xi32>, vector<16xi1> -> vector<16xi32>
      %select_n3A_52 = arith.select %eq3A_43, %broadcast_in_dim3A_3, %broadcast_in_dim3A_1 : vector<16xi1>, vector<16xi32>
      %broadcast_in_dim3A_53 = arith.constant true
      %broadcast_in_dim3A_54 = vector.broadcast %broadcast_in_dim3A_53 : i1 to vector<16xi1>
      %masked_cumsum3A_55 = tpu.scan <sum>, %select_n3A_52 masked %broadcast_in_dim3A_54 : vector<16xi32>, vector<16xi1> -> vector<16xi32>
      %select_n3A_56 = arith.select %eq3A_44, %broadcast_in_dim3A_3, %broadcast_in_dim3A_1 : vector<16xi1>, vector<16xi32>
      %broadcast_in_dim3A_57 = arith.constant true
      %broadcast_in_dim3A_58 = vector.broadcast %broadcast_in_dim3A_57 : i1 to vector<16xi1>
      %masked_cumsum3A_59 = tpu.scan <sum>, %select_n3A_56 masked %broadcast_in_dim3A_58 : vector<16xi32>, vector<16xi1> -> vector<16xi32>
      %select_n3A_60 = arith.select %eq3A_45, %broadcast_in_dim3A_3, %broadcast_in_dim3A_1 : vector<16xi1>, vector<16xi32>
      %broadcast_in_dim3A_61 = arith.constant true
      %broadcast_in_dim3A_62 = vector.broadcast %broadcast_in_dim3A_61 : i1 to vector<16xi1>
      %masked_cumsum3A_63 = tpu.scan <sum>, %select_n3A_60 masked %broadcast_in_dim3A_62 : vector<16xi32>, vector<16xi1> -> vector<16xi32>
      %select_n3A_64 = arith.select %eq3A_46, %broadcast_in_dim3A_3, %broadcast_in_dim3A_1 : vector<16xi1>, vector<16xi32>
      %broadcast_in_dim3A_65 = arith.constant true
      %broadcast_in_dim3A_66 = vector.broadcast %broadcast_in_dim3A_65 : i1 to vector<16xi1>
      %masked_cumsum3A_67 = tpu.scan <sum>, %select_n3A_64 masked %broadcast_in_dim3A_66 : vector<16xi32>, vector<16xi1> -> vector<16xi32>
      %select_n3A_68 = arith.select %eq3A_47, %broadcast_in_dim3A_3, %broadcast_in_dim3A_1 : vector<16xi1>, vector<16xi32>
      %broadcast_in_dim3A_69 = arith.constant true
      %broadcast_in_dim3A_70 = vector.broadcast %broadcast_in_dim3A_69 : i1 to vector<16xi1>
      %masked_cumsum3A_71 = tpu.scan <sum>, %select_n3A_68 masked %broadcast_in_dim3A_70 : vector<16xi32>, vector<16xi1> -> vector<16xi32>
      %select_n3A_72 = arith.select %eq3A_48, %broadcast_in_dim3A_3, %broadcast_in_dim3A_1 : vector<16xi1>, vector<16xi32>
      %broadcast_in_dim3A_73 = arith.constant true
      %broadcast_in_dim3A_74 = vector.broadcast %broadcast_in_dim3A_73 : i1 to vector<16xi1>
      %masked_cumsum3A_75 = tpu.scan <sum>, %select_n3A_72 masked %broadcast_in_dim3A_74 : vector<16xi32>, vector<16xi1> -> vector<16xi32>
      %select_n3A_76 = arith.select %eq3A_49, %broadcast_in_dim3A_3, %broadcast_in_dim3A_1 : vector<16xi1>, vector<16xi32>
      %broadcast_in_dim3A_77 = arith.constant true
      %broadcast_in_dim3A_78 = vector.broadcast %broadcast_in_dim3A_77 : i1 to vector<16xi1>
      %masked_cumsum3A_79 = tpu.scan <sum>, %select_n3A_76 masked %broadcast_in_dim3A_78 : vector<16xi32>, vector<16xi1> -> vector<16xi32>
      %all_reduce_population_count3A = tpu.all_reduce %eq3A {dim = 0 : i64, kind = #tpu.reduction_kind<sum>} : vector<16xi1> -> vector<16xi32>
      %all_reduce_population_count3A_80 = tpu.all_reduce %eq3A_43 {dim = 0 : i64, kind = #tpu.reduction_kind<sum>} : vector<16xi1> -> vector<16xi32>
      %all_reduce_population_count3A_81 = tpu.all_reduce %eq3A_44 {dim = 0 : i64, kind = #tpu.reduction_kind<sum>} : vector<16xi1> -> vector<16xi32>
      %all_reduce_population_count3A_82 = tpu.all_reduce %eq3A_45 {dim = 0 : i64, kind = #tpu.reduction_kind<sum>} : vector<16xi1> -> vector<16xi32>
      %all_reduce_population_count3A_83 = tpu.all_reduce %eq3A_46 {dim = 0 : i64, kind = #tpu.reduction_kind<sum>} : vector<16xi1> -> vector<16xi32>
      %all_reduce_population_count3A_84 = tpu.all_reduce %eq3A_47 {dim = 0 : i64, kind = #tpu.reduction_kind<sum>} : vector<16xi1> -> vector<16xi32>
      %all_reduce_population_count3A_85 = tpu.all_reduce %eq3A_48 {dim = 0 : i64, kind = #tpu.reduction_kind<sum>} : vector<16xi1> -> vector<16xi32>
      %all_reduce_population_count3A_86 = tpu.all_reduce %eq3A_49 {dim = 0 : i64, kind = #tpu.reduction_kind<sum>} : vector<16xi1> -> vector<16xi32>
      %swap3A = arith.index_cast %add3A_12 : i32 to index
      %swap3A_87 = tpu.vector_load %arg6[%swap3A] {strides = array<i32>} : memref<4096xi32, #tpu.memory_space<vmem>>, vector<16xi32>,
      tpu.vector_store %arg6[%swap3A], %broadcast_in_dim3A_1 {strides = array<i32>} : memref<4096xi32, #tpu.memory_space<vmem>>, vector<16xi32>,
      %add3A_88 = arith.addi %scan3A_10, %masked_cumsum3A : vector<16xi32>
      %sub3A = arith.constant 1 : i32
      %sub3A_89 = vector.broadcast %sub3A : i32 to vector<16xi32>
      %sub3A_90 = arith.subi %add3A_88, %sub3A_89 : vector<16xi32>
      %add3A_91 = vector.broadcast %add3A_12 : i32 to vector<16xi32>
      %add3A_92 = arith.addi %iota3A, %add3A_91 : vector<16xi32>
      tpu.vector_store_idx %arg6[%sub3A_90], %add3A_92 masked %eq3A : memref<4096xi32, #tpu.memory_space<vmem>>[vector<16xi32>], vector<16xi32>, vector<16xi1>
      %add3A_93 = arith.addi %scan3A_10, %all_reduce_population_count3A : vector<16xi32>
      %swap3A_94 = arith.index_cast %add3A_14 : i32 to index
      %swap3A_95 = tpu.vector_load %arg6[%swap3A_94] {strides = array<i32>} : memref<4096xi32, #tpu.memory_space<vmem>>, vector<16xi32>,
      tpu.vector_store %arg6[%swap3A_94], %broadcast_in_dim3A_1 {strides = array<i32>} : memref<4096xi32, #tpu.memory_space<vmem>>, vector<16xi32>,
      %add3A_96 = arith.addi %add3A_93, %masked_cumsum3A_55 : vector<16xi32>
      %sub3A_97 = arith.constant 1 : i32
      %sub3A_98 = vector.broadcast %sub3A_97 : i32 to vector<16xi32>
      %sub3A_99 = arith.subi %add3A_96, %sub3A_98 : vector<16xi32>
      %add3A_100 = vector.broadcast %add3A_14 : i32 to vector<16xi32>
      %add3A_101 = arith.addi %iota3A, %add3A_100 : vector<16xi32>
      tpu.vector_store_idx %arg6[%sub3A_99], %add3A_101 masked %eq3A_43 : memref<4096xi32, #tpu.memory_space<vmem>>[vector<16xi32>], vector<16xi32>, vector<16xi1>
      %add3A_102 = arith.addi %add3A_93, %all_reduce_population_count3A_80 : vector<16xi32>
      %swap3A_103 = arith.index_cast %add3A_16 : i32 to index
      %swap3A_104 = tpu.vector_load %arg6[%swap3A_103] {strides = array<i32>} : memref<4096xi32, #tpu.memory_space<vmem>>, vector<16xi32>,
      tpu.vector_store %arg6[%swap3A_103], %broadcast_in_dim3A_1 {strides = array<i32>} : memref<4096xi32, #tpu.memory_space<vmem>>, vector<16xi32>,
      %add3A_105 = arith.addi %add3A_102, %masked_cumsum3A_59 : vector<16xi32>
      %sub3A_106 = arith.constant 1 : i32
      %sub3A_107 = vector.broadcast %sub3A_106 : i32 to vector<16xi32>
      %sub3A_108 = arith.subi %add3A_105, %sub3A_107 : vector<16xi32>
      %add3A_109 = vector.broadcast %add3A_16 : i32 to vector<16xi32>
      %add3A_110 = arith.addi %iota3A, %add3A_109 : vector<16xi32>
      tpu.vector_store_idx %arg6[%sub3A_108], %add3A_110 masked %eq3A_44 : memref<4096xi32, #tpu.memory_space<vmem>>[vector<16xi32>], vector<16xi32>, vector<16xi1>
      %add3A_111 = arith.addi %add3A_102, %all_reduce_population_count3A_81 : vector<16xi32>
      %swap3A_112 = arith.index_cast %add3A_18 : i32 to index
      %swap3A_113 = tpu.vector_load %arg6[%swap3A_112] {strides = array<i32>} : memref<4096xi32, #tpu.memory_space<vmem>>, vector<16xi32>,
      tpu.vector_store %arg6[%swap3A_112], %broadcast_in_dim3A_1 {strides = array<i32>} : memref<4096xi32, #tpu.memory_space<vmem>>, vector<16xi32>,
      %add3A_114 = arith.addi %add3A_111, %masked_cumsum3A_63 : vector<16xi32>
      %sub3A_115 = arith.constant 1 : i32
      %sub3A_116 = vector.broadcast %sub3A_115 : i32 to vector<16xi32>
      %sub3A_117 = arith.subi %add3A_114, %sub3A_116 : vector<16xi32>
      %add3A_118 = vector.broadcast %add3A_18 : i32 to vector<16xi32>
      %add3A_119 = arith.addi %iota3A, %add3A_118 : vector<16xi32>
      tpu.vector_store_idx %arg6[%sub3A_117], %add3A_119 masked %eq3A_45 : memref<4096xi32, #tpu.memory_space<vmem>>[vector<16xi32>], vector<16xi32>, vector<16xi1>
      %add3A_120 = arith.addi %add3A_111, %all_reduce_population_count3A_82 : vector<16xi32>
      %swap3A_121 = arith.index_cast %add3A_20 : i32 to index
      %swap3A_122 = tpu.vector_load %arg6[%swap3A_121] {strides = array<i32>} : memref<4096xi32, #tpu.memory_space<vmem>>, vector<16xi32>,
      tpu.vector_store %arg6[%swap3A_121], %broadcast_in_dim3A_1 {strides = array<i32>} : memref<4096xi32, #tpu.memory_space<vmem>>, vector<16xi32>,
      %add3A_123 = arith.addi %add3A_120, %masked_cumsum3A_67 : vector<16xi32>
      %sub3A_124 = arith.constant 1 : i32
      %sub3A_125 = vector.broadcast %sub3A_124 : i32 to vector<16xi32>
      %sub3A_126 = arith.subi %add3A_123, %sub3A_125 : vector<16xi32>
      %add3A_127 = vector.broadcast %add3A_20 : i32 to vector<16xi32>
      %add3A_128 = arith.addi %iota3A, %add3A_127 : vector<16xi32>
      tpu.vector_store_idx %arg6[%sub3A_126], %add3A_128 masked %eq3A_46 : memref<4096xi32, #tpu.memory_space<vmem>>[vector<16xi32>], vector<16xi32>, vector<16xi1>
      %add3A_129 = arith.addi %add3A_120, %all_reduce_population_count3A_83 : vector<16xi32>
      %swap3A_130 = arith.index_cast %add3A_22 : i32 to index
      %swap3A_131 = tpu.vector_load %arg6[%swap3A_130] {strides = array<i32>} : memref<4096xi32, #tpu.memory_space<vmem>>, vector<16xi32>,
      tpu.vector_store %arg6[%swap3A_130], %broadcast_in_dim3A_1 {strides = array<i32>} : memref<4096xi32, #tpu.memory_space<vmem>>, vector<16xi32>,
      %add3A_132 = arith.addi %add3A_129, %masked_cumsum3A_71 : vector<16xi32>
      %sub3A_133 = arith.constant 1 : i32
      %sub3A_134 = vector.broadcast %sub3A_133 : i32 to vector<16xi32>
      %sub3A_135 = arith.subi %add3A_132, %sub3A_134 : vector<16xi32>
      %add3A_136 = vector.broadcast %add3A_22 : i32 to vector<16xi32>
      %add3A_137 = arith.addi %iota3A, %add3A_136 : vector<16xi32>
      tpu.vector_store_idx %arg6[%sub3A_135], %add3A_137 masked %eq3A_47 : memref<4096xi32, #tpu.memory_space<vmem>>[vector<16xi32>], vector<16xi32>, vector<16xi1>
      %add3A_138 = arith.addi %add3A_129, %all_reduce_population_count3A_84 : vector<16xi32>
      %swap3A_139 = arith.index_cast %add3A_24 : i32 to index
      %swap3A_140 = tpu.vector_load %arg6[%swap3A_139] {strides = array<i32>} : memref<4096xi32, #tpu.memory_space<vmem>>, vector<16xi32>,
      tpu.vector_store %arg6[%swap3A_139], %broadcast_in_dim3A_1 {strides = array<i32>} : memref<4096xi32, #tpu.memory_space<vmem>>, vector<16xi32>,
      %add3A_141 = arith.addi %add3A_138, %masked_cumsum3A_75 : vector<16xi32>
      %sub3A_142 = arith.constant 1 : i32
      %sub3A_143 = vector.broadcast %sub3A_142 : i32 to vector<16xi32>
      %sub3A_144 = arith.subi %add3A_141, %sub3A_143 : vector<16xi32>
      %add3A_145 = vector.broadcast %add3A_24 : i32 to vector<16xi32>
      %add3A_146 = arith.addi %iota3A, %add3A_145 : vector<16xi32>
      tpu.vector_store_idx %arg6[%sub3A_144], %add3A_146 masked %eq3A_48 : memref<4096xi32, #tpu.memory_space<vmem>>[vector<16xi32>], vector<16xi32>, vector<16xi1>
      %add3A_147 = arith.addi %add3A_138, %all_reduce_population_count3A_85 : vector<16xi32>
      %swap3A_148 = arith.index_cast %add3A_26 : i32 to index
      %swap3A_149 = tpu.vector_load %arg6[%swap3A_148] {strides = array<i32>} : memref<4096xi32, #tpu.memory_space<vmem>>, vector<16xi32>,
      tpu.vector_store %arg6[%swap3A_148], %broadcast_in_dim3A_1 {strides = array<i32>} : memref<4096xi32, #tpu.memory_space<vmem>>, vector<16xi32>,
      %add3A_150 = arith.addi %add3A_147, %masked_cumsum3A_79 : vector<16xi32>
      %sub3A_151 = arith.constant 1 : i32
      %sub3A_152 = vector.broadcast %sub3A_151 : i32 to vector<16xi32>
      %sub3A_153 = arith.subi %add3A_150, %sub3A_152 : vector<16xi32>
      %add3A_154 = vector.broadcast %add3A_26 : i32 to vector<16xi32>
      %add3A_155 = arith.addi %iota3A, %add3A_154 : vector<16xi32>
      tpu.vector_store_idx %arg6[%sub3A_153], %add3A_155 masked %eq3A_49 : memref<4096xi32, #tpu.memory_space<vmem>>[vector<16xi32>], vector<16xi32>, vector<16xi1>
      %add3A_156 = arith.addi %add3A_147, %all_reduce_population_count3A_86 : vector<16xi32>
      scf.yield %add3A_156 : vector<16xi32>
    }
    %scan3A_8 = arith.constant 32 : i32
    "tpu.region"() ({
      %run_scoped3A = tpu.sem_alloc : memref<!tpu.dma_semaphore, #tpu.memory_space<semaphore_mem>>
      %dma_start3A = arith.constant 0 : i32
      %dma_start3A_9 = tpu.memref_slice %arg4[%arg1, %dma_start3A] : memref<16x4096xi32, #tpu.memory_space<hbm>> -> memref<1x4096xi32, #tpu.memory_space<hbm>>
      %dma_start3A_10 = tpu.memref_squeeze %dma_start3A_9 : memref<1x4096xi32, #tpu.memory_space<hbm>> -> memref<4096xi32, #tpu.memory_space<hbm>>
      %dma_start3A_11 = arith.constant 0 : i32
      %dma_start3A_12 = tpu.memref_slice %arg4[%arg1, %dma_start3A_11] : memref<16x4096xi32, #tpu.memory_space<hbm>> -> memref<1x4096xi32, #tpu.memory_space<hbm>>
      %dma_start3A_13 = tpu.memref_squeeze %dma_start3A_12 : memref<1x4096xi32, #tpu.memory_space<hbm>> -> memref<4096xi32, #tpu.memory_space<hbm>>
      tpu.enqueue_dma source(%arg6 : memref<4096xi32, #tpu.memory_space<vmem>>) target(%dma_start3A_13 : memref<4096xi32, #tpu.memory_space<hbm>>) target_semaphore(%run_scoped3A : memref<!tpu.dma_semaphore, #tpu.memory_space<semaphore_mem>>)
      %dma_wait3A = arith.constant 0 : i32
      %dma_wait3A_14 = tpu.memref_slice %arg4[%arg1, %dma_wait3A] : memref<16x4096xi32, #tpu.memory_space<hbm>> -> memref<1x4096xi32, #tpu.memory_space<hbm>>
      %dma_wait3A_15 = tpu.memref_squeeze %dma_wait3A_14 : memref<1x4096xi32, #tpu.memory_space<hbm>> -> memref<4096xi32, #tpu.memory_space<hbm>>
      %dma_wait3A_16 = arith.constant 0 : i32
      %dma_wait3A_17 = tpu.memref_slice %arg4[%arg1, %dma_wait3A_16] : memref<16x4096xi32, #tpu.memory_space<hbm>> -> memref<1x4096xi32, #tpu.memory_space<hbm>>
      %dma_wait3A_18 = tpu.memref_squeeze %dma_wait3A_17 : memref<1x4096xi32, #tpu.memory_space<hbm>> -> memref<4096xi32, #tpu.memory_space<hbm>>
      tpu.wait_dma2 semaphore(%run_scoped3A : memref<!tpu.dma_semaphore, #tpu.memory_space<semaphore_mem>>) src(%arg6 : memref<4096xi32, #tpu.memory_space<vmem>>) dst(%dma_wait3A_18 : memref<4096xi32, #tpu.memory_space<hbm>>)
      tpu.yield
    }) : () -> ()
    return
  }
}

module attributes {stable_mosaic.version = 14 : i64} {
  func.func @_tc_diff_body(%arg0: memref<16x4096xf32, #tpu.memory_space<vmem>>, %arg1: memref<1x1xf32, #tpu.memory_space<smem>>, %arg2: memref<16x4096xf32, #tpu.memory_space<vmem>>) attributes {dimension_semantics = [], scalar_prefetch = 0 : i64, scratch_operands = 0 : i64, tpu.core_type = #tpu.core_type<tc>} {
    %get3A = arith.constant 0 : index
    %get3A_0 = arith.constant 0 : index
    %get3A_1 = vector.load %arg0[%get3A, %get3A_0] : memref<16x4096xf32, #tpu.memory_space<vmem>>, vector<16x4096xf32>
    %get3A_2 = arith.constant 0 : index
    %get3A_3 = arith.constant 0 : index
    %get3A_4 = memref.load %arg1[%get3A_2, %get3A_3] : memref<1x1xf32, #tpu.memory_space<smem>>
    %eq3A = vector.broadcast %get3A_4 : f32 to vector<16x4096xf32>
    %eq3A_5 = arith.cmpf oeq, %get3A_1, %eq3A : vector<16x4096xf32>
    %jit3A = arith.constant 1.000000e+00 : f32
    %jit3A_6 = arith.constant 0.000000e+00 : f32
    %broadcast_in_dim3A = vector.broadcast %jit3A : f32 to vector<16x4096xf32>
    %broadcast_in_dim3A_7 = vector.broadcast %jit3A_6 : f32 to vector<16x4096xf32>
    %select_n3A = arith.select %eq3A_5, %broadcast_in_dim3A, %broadcast_in_dim3A_7 : vector<16x4096xi1>, vector<16x4096xf32>
    %swap3A = arith.constant 0 : index
    %swap3A_8 = arith.constant 0 : index
    %swap3A_9 = vector.load %arg2[%swap3A, %swap3A_8] : memref<16x4096xf32, #tpu.memory_space<vmem>>, vector<16x4096xf32>
    tpu.vector_store %arg2[%swap3A, %swap3A_8], %select_n3A {strides = array<i32>} : memref<16x4096xf32, #tpu.memory_space<vmem>>, vector<16x4096xf32>,
    return
  }
}

</mosaic_0001>

<sc_bundles>
// kernel: kernel.4.cloned.1.call-start
scs
__scs_entry_jumppad:
0x0: {  	(pc) =	sbr.rel $0x88, $3  }
0x1: {  	(tag) =	ssettag $0x0;
	lr =	simm.s32 $0x1  }
0x2: {  	[smem:$0x3F9F] =	sst lr;
	_ =	strace $0xD0000000  }
0x3: {  	_ = 	snop  }
0x4: {  	_ = 	snop  }
0x5: {  	_ = 	snop  }
0x6: {  	_ = 	snop  }
0x7: {  	_ = 	snop  }
__scs_overlays_trampoline_lowered:
0x8: {  	[smem:$0x3FAE] =	sst s0  }
0x9: {  	[smem:$0x3FAF] =	sst s1  }
0xa: {  	[smem:$0x3FB0] =	sst s2  }
0xb: {  	[smem:$0x3FB1] =	sst s3  }
0xc: {  	[smem:$0x3FB2] =	sst s4  }
0xd: {  	[smem:$0x3FB3] =	sst s5  }
0xe: {  	[smem:$0x3FB4] =	sst s6  }
0xf: {  	[smem:$0x3FB5] =	sst s7  }
0x10: {  	[smem:$0x3FB6] =	sst s8  }
0x11: {  	[smem:$0x3FB7] =	sst s9;
	s0 =	simm.s32 @!p0 $0x0  }
0x12: {  	s1 =	sld [smem:$0x3F9D];
	s0 =	simm.s32 @p0 $0x1  }
0x13: {  	[smem:$0x3FB8] =	sst s0;
	s0 =	simm.s32 @!p1 $0x0  }
0x14: {  	s2 =	sld [smem:$0x3F9C];
	s0 =	simm.s32 @p1 $0x1  }
0x15: {  	[smem:$0x3FB9] =	sst s0;
	s0 =	simm.s32 @!p2 $0x0  }
0x16: {  	s3 =	sld [smem:$0x3FDB];
	s0 =	simm.s32 @p2 $0x1  }
0x17: {  	s4 =	simm.s32 $0x1BF5;
	[smem:$0x3FBB] =	sst s0  }
0x18: {  	s0 =	sld [smem:$0x3F9E];
	_ =	swait.ge [sflag:s4], $0x0  }
0x19: {  	s7 =	sld [smem:$0x3F9F]  }
0x1a: {  	s8 =	sadd.s32 $0xFFFFE003, lr  }
0x1b: {  	s9 =	sadd.s32 $0xFFFFFEF7, lr;
	s5 =	simm.s32 $0xFFFFFFFF;
	p2 =	slt.u32 s8, $0xFFFFF086  }
0x1c: {  	p1 =	slt.u32 s9, $0xF7A;
	s5 =	simm.s32 @!p2 $0x0  }
0x1d: {  	s5 =	simm.s32 @p1 $0x1;
	p0 =	seq.s32 s7, s2  }
0x1e: {  	s7 =	smul.u32 @!p0 $0xF7A, s2;
	p2 =	seq.s32 @!p0 s5, $0x0  }
0x1f: {  	s9 =	smul.u32 $0xF7A, s1;
	s8 =	simm.s32 @!p0 $0x1BF5;
	p2 =	por !p2, p0  }
0x20: {  	[sflag:s8] =	ssyncset.s32 @!p0 $0xFFFFF086;
	s6 =	sadd.s32 @!p0 s3, s7;
	s7 =	simm.s32 @!p0 $0x108  }
0x21: {  	s3 =	sadd.s32 s3, s9;
	s6 =	sadd.s32 @!p0 $0x88, s6;
	s7 =	simm.s32 @p2 $0x1082  }
0x22: {  	[simem:s7], [sflag:s8] =	dma.local @!p0 [hbm:s6], $0xF7A  }
0x23: {  	s9 =	sor.u32 $0xD0000000, s2;
	s6 =	simm.s32 $0x108;
	_ =	swait.ge @!p0 [sflag:s8], $0x0  }
0x24: {  	s3 =	sadd.s32 $0x88, s3;
	s6 =	simm.s32 @!p1 $0x1082;
	[sflag:s4] =	ssyncset.s32 $0xFFFFF086  }
0x25: {  	[simem:s6], [sflag:s4] =	dma.local [hbm:s3], $0xF7A  }
0x26: {  	[smem:$0x3F9F] =	sst s1;
	(tag) =	ssettag s2;
	_ =	strace s9  }
0x27: {  	s1 =	sld [smem:$0x3FAF]  }
0x28: {  	s2 =	sld [smem:$0x3FB0]  }
0x29: {  	s4 =	sld [smem:$0x3FB2]  }
0x2a: {  	p0 =	seq.s32 s5, $0x0;
	s5 =	sld [smem:$0x3FB3]  }
0x2b: {  	s6 =	sld [smem:$0x3FB4]  }
0x2c: {  	s7 =	sld [smem:$0x3FB5]  }
0x2d: {  	s3 =	simm.s32 $0x108;
	s8 =	sld [smem:$0x3FB6]  }
0x2e: {  	s3 =	simm.s32 @!p0 $0x1082;
	s9 =	sld [smem:$0x3FB7]  }
0x2f: {  	lr =	sadd.s32 s0, s3;
	s0 =	sld [smem:$0x3FAE]  }
0x30: {  	s3 =	sld [smem:$0x3FB1]  }
0x31: {  	[smem:$0x3FBA] =	sst s10  }
0x32: {  	s10 =	sld [smem:$0x3FB8];
	_ =	sdelay $0x3  }
0x33: {  	p0 =	seq.s32 s10, $0x1;
	s10 =	sld [smem:$0x3FBA];
	_ =	sdelay $0x3  }
0x34: {  	[smem:$0x3FBA] =	sst s10  }
0x35: {  	s10 =	sld [smem:$0x3FB9];
	_ =	sdelay $0x3  }
0x36: {  	p1 =	seq.s32 s10, $0x1;
	s10 =	sld [smem:$0x3FBA];
	_ =	sdelay $0x3  }
0x37: {  	[smem:$0x3FBA] =	sst s10  }
0x38: {  	s10 =	sld [smem:$0x3FBB]  }
0x39: {  	_ = 	snop;
	(pc) =	sbr.ind lr, $3  }
0x3a: {  	_ = 	snop  }
0x3b: {  	_ = 	snop  }
0x3c: {  	p2 =	seq.s32 s10, $0x1;
	s10 =	sld [smem:$0x3FBA]  }
0x3d: {  	_ =	shalt  }
0x3e: {  	_ =	shalt  }
0x3f: {  	_ =	shalt  }
0x40: {  	_ =	shalt  }
0x41: {  	_ =	shalt  }
0x42: {  	_ =	shalt  }
0x43: {  	_ =	shalt  }
0x44: {  	_ =	shalt  }
0x45: {  	_ =	shalt  }
0x46: {  	_ =	shalt  }
0x47: {  	_ =	shalt  }
0x48: {  	_ =	shalt  }
0x49: {  	_ =	shalt  }
0x4a: {  	_ =	shalt  }
0x4b: {  	_ =	shalt  }
0x4c: {  	_ =	shalt  }
0x4d: {  	_ =	shalt  }
0x4e: {  	_ =	shalt  }
0x4f: {  	_ =	shalt  }
0x50: {  	_ =	shalt  }
0x51: {  	_ =	shalt  }
0x52: {  	_ =	shalt  }
0x53: {  	_ =	shalt  }
0x54: {  	_ =	shalt  }
0x55: {  	_ =	shalt  }
0x56: {  	_ =	shalt  }
0x57: {  	_ =	shalt  }
0x58: {  	_ =	shalt  }
0x59: {  	_ =	shalt  }
0x5a: {  	_ =	shalt  }
0x5b: {  	_ =	shalt  }
0x5c: {  	_ =	shalt  }
0x5d: {  	_ =	shalt  }
0x5e: {  	_ =	shalt  }
0x5f: {  	_ =	shalt  }
0x60: {  	_ =	shalt  }
0x61: {  	_ =	shalt  }
0x62: {  	_ =	shalt  }
0x63: {  	_ =	shalt  }
0x64: {  	_ =	shalt  }
0x65: {  	_ =	shalt  }
0x66: {  	_ =	shalt  }
0x67: {  	_ =	shalt  }
0x68: {  	_ =	shalt  }
0x69: {  	_ =	shalt  }
0x6a: {  	_ =	shalt  }
0x6b: {  	_ =	shalt  }
0x6c: {  	_ =	shalt  }
0x6d: {  	_ =	shalt  }
0x6e: {  	_ =	shalt  }
0x6f: {  	_ =	shalt  }
0x70: {  	_ =	shalt  }
0x71: {  	_ =	shalt  }
0x72: {  	_ =	shalt  }
0x73: {  	_ =	shalt  }
0x74: {  	_ =	shalt  }
0x75: {  	_ =	shalt  }
0x76: {  	_ =	shalt  }
0x77: {  	_ =	shalt  }
0x78: {  	_ =	shalt  }
0x79: {  	_ =	shalt  }
0x7a: {  	_ =	shalt  }
0x7b: {  	_ =	shalt  }
0x7c: {  	_ =	shalt  }
0x7d: {  	_ =	shalt  }
0x7e: {  	_ =	shalt  }
0x7f: {  	_ =	shalt  }
0x80: {  	_ =	shalt  }
0x81: {  	_ =	shalt  }
0x82: {  	_ =	shalt  }
0x83: {  	_ =	shalt  }
0x84: {  	_ =	shalt  }
0x85: {  	_ =	shalt  }
0x86: {  	_ =	shalt  }
0x87: {  	_ =	shalt  }
.Lfunc_end0:
.L_simem_size_0:
called_computation_lowered:
.L_overlay_start_0:
0x88: {  	s0 =	sld [smem:$0x3FD9]  }
0x89: {  	s1 =	sld [smem:$0x3FFE];
	_ =	sdelay $0x3  }
0x8a: {  	s0 =	sadd.s32 s1, s0  }
0x8b: {  	[smem:$0x3FC6] =	sst s0  }
0x8c: {  	_ = 	snop  }
0x8d: {  	s0 =	sld [smem:$0x3FC9];
	(tm) =	ssettm $0x1  }
0x8e: {  	s16 =	sld [smem:$0x3FFB];
	_ =	sdelay $0x3  }
0x8f: {  	_ =	strace s16  }
0x90: {  	s1 =	sld [smem:$0x3FFC];
	_ =	sdelay $0x3  }
0x91: {  	_ =	strace s1  }
0x92: {  	s1 =	sld [smem:$0x3FFD];
	_ =	sdelay $0x3  }
0x93: {  	_ =	strace s1  }
0x94: {  	_ =	strace $0x8FFFFFFF  }
0x95: {  	s17 =	sld [smem:$0x3FDB];
	_ =	sdelay $0x1  }
0x96: {  	s2 =	simm.s32 $_scs_section_size  }
0x97: {  	s3 =	simm.s32 $_size__tile_overlayer_lowered;
	s4 =	simm.s32 $_tile_overlayer_lowered  }
0x98: {  	s20 =	simm.s32 $0x1BFF;
	s19 =	sshll.u32 s4, $0x1;
	s1 =	sadd.s32 s2, s17  }
0x99: {  	s5 =	simm.s32 $0x0;
	s18 =	sshll.u32 s3, $0x1;
	s3 =	sadd.s32 s19, s1  }
0x9a: {  	[timem:s5], [sflag:s20] =	dma.local [hbm:s3], s18  }
0x9b: {  	_ =	swait.ge [sflag:s20], s18  }
0x9c: {  	s2 =	ssub.s32 $0x0, s18;
	[sflag:s20] =	ssyncset.done $0x0  }
0x9d: {  	[sflag:s20] =	ssyncadd.s32 s2;
	_ =	sdelay $0x1  }
0x9e: {  	s21 =	simm.s32 $0x1B8B  }
0x9f: {  	_ =	swait.ge [sflag:s21], $0x1  }
0xa0: {  	[sflag:s21] =	ssyncset.done $0x0  }
0xa1: {  	s23 =	simm.s32 $0x1B8E;
	s22 =	sld [smem:$0x3FFE];
	[sflag:s21] =	ssyncadd.s32 $0xFFFFFFFF  }
0xa2: {  	s24 =	simm.s32 $execute0_lowered;
	[smem:$0x3FD2] =	sst s23  }
0xa3: {  	s3 =	sshll.u32 s24, $0x1;
	_ =	strace $0x80000046;
	[dreg:$0x1] =	wrdreg $0xFFFFFFFF  }
0xa4: {  	s25 =	simm.s32 $_size_execute0_lowered;
	s1 =	sadd.s32 s1, s3;
	[dreg:$0x0] =	wrdreg $0x0  }
0xa5: {  	s3 =	sshll.u32 s25, $0x1;
	[dreg:$0x2] =	wrdreg s1  }
0xa6: {  	[dreg:$0x3] =	wrdreg s3  }
0xa7: {  	[dreg:$0x4] =	wrdreg $0xC0  }
0xa8: {  	_ =	task [dreg:s5], $0x5FFFF  }
0xa9: {  	[dreg:$0x1] =	wrdreg $0xFFFFFFFF  }
0xaa: {  	[dreg:$0x0] =	wrdreg $0x60  }
0xab: {  	[dreg:$0x2] =	wrdreg s0  }
0xac: {  	[dreg:$0x3] =	wrdreg s22  }
0xad: {  	[dreg:$0x4] =	wrdreg $0x9  }
0xae: {  	_ =	task.clear_ibuf [dreg:s5], $0x5FFFF;
	_ =	strace $0x90000046  }
0xaf: {  	s26 =	simm.s32 $0x9;
	_ =	strace $0x80000048  }
0xb0: {  	_ =	swait.ge [sflag:s26], $0x1  }
0xb1: {  	[sflag:s26] =	ssyncadd.s32 $0xFFFFFFFF  }
0xb2: {  	_ =	strace $0x90000048  }
0xb3: {  	_ =	sfence  }
0xb4: {  	s28 =	sld [smem:$0x0];
	_ =	sdelay $0x1  }
0xb5: {  	s29 =	srdreg.scid  }
0xb6: {  	s30 =	sshll.u32 s29, $0xD;
	s31 =	sshrl.u32 s29, $0x2  }
0xb7: {  	s2 =	sand.u32 $0x4000, s30;
	s1 =	sand.u32 $0x1, s29;
	s0 =	sadd.s32 s31, s28  }
0xb8: {  	s1 =	sor.u32 s2, s1;
	s0 =	sshll.u32 s0, $0x11  }
0xb9: {  	s0 =	sor.u32 s0, s1  }
0xba: {  	s0 =	sadd.s32 $0x8F2B, s0  }
0xbb: {  	[sflag:s0] =	ssyncadd.remote.s32 $0x1  }
0xbc: {  	_ =	sfence.sel $0xFFFF  }
0xbd: {  	[dreg:$0x0] =	wrdreg $0xFFFFFFFF;
	(pc) =	sbr.abs _section_cstart, $3  }
0xbe: {  	[dreg:$0x1] =	wrdreg $0xFFFFFFFF  }
0xbf: {  	_ =	task.clear_ibuf [dreg:s5], $0x2FFFF;
	_ =	strace $0x9FFFFFFF  }
0xc0: {  	(tm) =	ssettm $0x7FFFFFFF  }
0xc1: {  	_ =	shalt  }
tec
execute0_lowered:
.L_overlay_start_1:
0x0: {  	(tag) =	ssettag $0x1  }
0x1: {  	s3 =	rddreg [dreg:$0x0]  }
0x2: {  	s5 =	rddreg [dreg:$0x1]  }
0x3: {  	s0 =	rddreg [dreg:$0x2];
	s4 =	simm.s32 $0x0;
	s1 =	stileid.u32  }
0x4: {  	[smem:$0x7FF] =	sst s4;
	s2 =	sshll.u32 s1, $0x9  }
0x5: {  	s29 =	simm.s32 $0x1;
	_ =	strace $0x80000047;
	s3 =	sadd.s32 s3, s2  }
0x6: {  	[tilespmem:s4], [sflag:$0x1] =	stream.linear.gather [hbm4b:s3+s4], $0x1000, $0x38;
	[tilespmem:$0x2010] =	vst v63  }
0x7: {  	_ =	swait.ge [sflag:s29], $0x1000  }
0x8: {  	[sflag:s29] =	ssyncset.done $0x0  }
0x9: {  	s7 =	simm.s32 $0x2000;
	s6 =	sadd.s32 $0x600, s5;
	[sflag:s29] =	ssyncadd.s32 $0xFFFFF000  }
0xa: {  	[tilespmem:s7], [sflag:$0x1] =	stream.linear.gather [hbm4b:s6+s4], $0x10, $0x38;
	[tilespmem:$0x2010] =	vst v63  }
0xb: {  	_ =	swait.ge [sflag:s29], $0x10  }
0xc: {  	[sflag:s29] =	ssyncset.done $0x0  }
0xd: {  	[sflag:s29] =	ssyncadd.s32 $0xFFFFFFF0  }
0xe: {  	s3 =	simm.s32 $0x40;
	v2 =	vld [tilespmem:$0x2000]  }
0xf: {  	v1 =	vld [tilespmem:s3+$0xFFFFFFC0];
	_ =	sdelay $0x1  }
0x10: {  	v3 =	vld [tilespmem:s3+$0xFFFFFFD0];
	_ =	sdelay $0x1  }
0x11: {  	v4 =	vld [tilespmem:s3+$0xFFFFFFE0]  }
0x12: {  	v0 =	vimm.s32 $0x0;
	v5 =	vld [tilespmem:s3+$0xFFFFFFF0];
	vm7 =	veq.f32 v1, v2  }
0x13: {  	v1 =	vsel vm7, $0x1, v0  }
0x14: {  	vm5 =	veq.f32 v3, v2;
	v3 =	vld [tilespmem:s3+$0x0];
	(xrf0) =	vadd.scan.msk.s32 $0xffff, v1  }
0x15: {  	v6 =	vsel vm5, $0x1, v0  }
0x16: {  	vm3 =	veq.f32 v4, v2;
	v4 =	vld [tilespmem:s3+$0x20];
	(xrf0) =	vadd.scan.msk.s32 $0xffff, v6  }
0x17: {  	vm2 =	veq.f32 v5, v2;
	v1 =	vsel vm3, $0x1, v0;
	v6 =	vld [tilespmem:s3+$0x10]  }
0x18: {  	v5 =	vmpcnt.ones.xlane vm7;
	v7 =	vsel vm2, $0x1, v0;
	v9 =	vmpcnt.ones.xlane vm5;
	(xrf0) =	vadd.scan.msk.s32 $0xffff, v1  }
0x19: {  	s30 =	simm.s32 $0x0;
	v62 =	vmpcnt.ones.xlane vm3;
	v1 =	vlaneseq.u32;
	vm1 =	veq.f32 v3, v2;
	(xrf0) =	vadd.scan.msk.s32 $0xffff, v7;
	v7 =	vld [tilespmem:s3+$0x30]  }
0x1a: {  	v5 =	vadd.s32 v0, v5;
	v10 =	vor.u32 s30, v1;
	v8 =	vsel vm1, $0x1, v0;
	v12, _, _ =	vpop (xrf0)  }
0x1b: {  	v3 =	vmpcnt.ones.xlane vm2;
	vm0 =	veq.f32 v4, v2;
	(xrf0) =	vadd.scan.msk.s32 $0xffff, v8;
	v4 =	vadd.s32 v12, v0  }
0x1c: {  	s31 =	simm.s32 $0x10;
	v11 =	vmpcnt.ones.xlane vm1;
	vm4 =	veq.f32 v6, v2;
	v61, _, _ =	vpop (xrf0);
	v13 =	vadd.s32 $0xFFFFFFFF, v4  }
0x1d: {  	v6 =	vor.u32 s31, v1;
	v8 =	vsel vm4, $0x1, v0;
	v4 =	vadd.s32 v5, v61  }
0x1e: {  	s4 =	simm.s32 $0x1040;
	v5 =	vadd.s32 v9, v5;
	v9, _, _ =	vpop (xrf0);
	(xrf0) =	vadd.scan.msk.s32 $0xffff, v8;
	vm6 =	veq.f32 v7, v2;
	v4 =	vadd.s32 $0xFFFFFFFF, v4  }
0x1f: {  	[tilespmem:s4+$0xFFFFFFC0] =	vst v0;
	v7 =	vsel vm0, $0x1, v0;
	v9 =	vadd.s32 v5, v9;
	v8 =	vadd.s32 v62, v5;
	v63, _, _ =	vpop (xrf0)  }
0x20: {  	s8 =	simm.s32 $0xF0;
	s6 =	simm.s32 $0x1000;
	(xrf0) =	vadd.scan.msk.s32 $0xffff, v7;
	v5 =	vadd.s32 $0xFFFFFFFF, v9;
	v12 =	vadd.s32 v8, v63;
	v8 =	vadd.s32 v3, v8  }
0x21: {  	s9 =	simm.s32 $0x1040;
	s5 =	sadd.s32 $0x800, s5;
	s7 =	simm.s32 $0x70;
	v9 =	vsel vm6, $0x1, v0;
	v3 =	vadd.s32 $0xFFFFFFFF, v12;
	v7 =	vadd.s32 v11, v8;
	[tilespmem:v13+s6+$0x0] =	vst.idx.msk vm7, v10;
	v10, _, _ =	vpop (xrf0)  }
.LBB2_1:
0x22: {  	p0 =	sne.s32 s8, $0xFF0;
	[tilespmem:s4+$0xFFFFFFD0] =	vst v0;
	v8 =	vadd.s32 v8, v10;
	s9 =	sadd.s32 $0x80, s9;
	s3 =	sadd.s32 $0x80, s3;
	(xrf0) =	vadd.scan.msk.s32 $0xffff, v9  }
0x23: {  	s10 =	sadd.s32 $0xFFFFFFB0, s7;
	s11 =	smov.u32 s8;
	s8 =	sadd.s32 $0x80, s8;
	[tilespmem:v4+s6+$0x0] =	vst.idx.msk vm5, v6  }
0x24: {  	v4 =	vmpcnt.ones.xlane vm4;
	v6 =	vor.u32 s10, v1;
	v8 =	vadd.s32 $0xFFFFFFFF, v8;
	[tilespmem:s4+$0xFFFFFFE0] =	vst v0;
	v9, _, _ =	vpop (xrf0)  }
0x25: {  	v10 =	vmpcnt.ones.xlane vm0;
	v11 =	vmpcnt.ones.xlane vm6;
	s10 =	sadd.s32 $0xFFFFFFC0, s7;
	[tilespmem:v5+s6+$0x0] =	vst.idx.msk vm3, v6;
	v5 =	vadd.s32 v7, v9  }
0x26: {  	v6 =	vor.u32 s10, v1;
	v4 =	vadd.s32 v4, v7;
	[tilespmem:s4+$0xFFFFFFF0] =	vst v0;
	v5 =	vadd.s32 $0xFFFFFFFF, v5;
	v7, _, _ =	vpop (xrf0)  }
0x27: {  	s10 =	sadd.s32 $0xFFFFFFD0, s7;
	[tilespmem:v3+s6+$0x0] =	vst.idx.msk vm2, v6;
	v3 =	vadd.s32 v4, v7;
	v4 =	vadd.s32 v10, v4  }
0x28: {  	v6 =	vor.u32 s10, v1;
	[tilespmem:s4+$0x0] =	vst v0;
	v3 =	vadd.s32 $0xFFFFFFFF, v3;
	v7 =	vadd.s32 v11, v4;
	v9, _, _ =	vpop (xrf0)  }
0x29: {  	s10 =	sadd.s32 $0xFFFFFFE0, s7;
	[tilespmem:v8+s6+$0x0] =	vst.idx.msk vm1, v6;
	v4 =	vadd.s32 v4, v9  }
0x2a: {  	v6 =	vor.u32 s10, v1;
	[tilespmem:s4+$0x10] =	vst v0;
	v4 =	vadd.s32 $0xFFFFFFFF, v4  }
0x2b: {  	s10 =	sadd.s32 $0xFFFFFFF0, s7;
	[tilespmem:v5+s6+$0x0] =	vst.idx.msk vm4, v6  }
0x2c: {  	v5 =	vor.u32 s10, v1;
	[tilespmem:s4+$0x20] =	vst v0  }
0x2d: {  	[tilespmem:v3+s6+$0x0] =	vst.idx.msk vm0, v5  }
0x2e: {  	v3 =	vor.u32 s7, v1;
	s7 =	smov.u32 s11;
	[tilespmem:s4+$0x30] =	vst v0;
	s4 =	smov.u32 s9  }
0x2f: {  	[tilespmem:v4+s6+$0x0] =	vst.idx.msk vm6, v3  }
0x30: {  	v3 =	vld [tilespmem:s3+$0xFFFFFFC0]  }
0x31: {  	v4 =	vld [tilespmem:s3+$0xFFFFFFD0];
	_ =	sdelay $0x1  }
0x32: {  	v5 =	vld [tilespmem:s3+$0xFFFFFFE0];
	_ =	sdelay $0x1  }
0x33: {  	s10 =	sadd.s32 $0xFFFFFF90, s7;
	v6 =	vld [tilespmem:s3+$0xFFFFFFF0];
	vm7 =	veq.f32 v3, v2  }
0x34: {  	vm5 =	veq.f32 v4, v2;
	v3 =	vsel vm7, $0x1, v0;
	v4 =	vmpcnt.ones.xlane vm7  }
0x35: {  	v10 =	vor.u32 s10, v1;
	v8 =	vld [tilespmem:s3+$0x0];
	v9 =	vsel vm5, $0x1, v0;
	(xrf0) =	vadd.scan.msk.s32 $0xffff, v3  }
0x36: {  	v3 =	vld [tilespmem:s3+$0x20];
	vm3 =	veq.f32 v5, v2;
	(xrf0) =	vadd.scan.msk.s32 $0xffff, v9  }
0x37: {  	v5 =	vld [tilespmem:s3+$0x10];
	v9 =	vsel vm3, $0x1, v0  }
0x38: {  	vm2 =	veq.f32 v6, v2;
	(xrf0) =	vadd.scan.msk.s32 $0xffff, v9  }
0x39: {  	v6 =	vsel vm2, $0x1, v0  }
0x3a: {  	vm1 =	veq.f32 v8, v2;
	v8 =	vmpcnt.ones.xlane vm2;
	(xrf0) =	vadd.scan.msk.s32 $0xffff, v6  }
0x3b: {  	v11 =	vmpcnt.ones.xlane vm5;
	v9 =	vld [tilespmem:s3+$0x30];
	v6 =	vsel vm1, $0x1, v0;
	v12 =	vmpcnt.ones.xlane vm1;
	v13, _, _ =	vpop (xrf0)  }
0x3c: {  	v4 =	vadd.s32 v7, v4;
	vm0 =	veq.f32 v3, v2;
	v3 =	vadd.s32 v13, v7;
	v7, _, _ =	vpop (xrf0);
	(xrf0) =	vadd.scan.msk.s32 $0xffff, v6  }
0x3d: {  	vm4 =	veq.f32 v5, v2;
	v3 =	vadd.s32 $0xFFFFFFFF, v3;
	v5 =	vadd.s32 v4, v7  }
.Ltmp0:
0x3e: {  	s10 =	sadd.s32 $0xFFFFFFA0, s7;
	v15 =	vadd.s32 v11, v4;
	v13 =	vmpcnt.ones.xlane vm3;
	v7 =	vsel vm4, $0x1, v0;
	v14, _, _ =	vpop (xrf0);
	(pc) =	sbr.rel @p0 .LBB2_1-.Ltmp0, $4  }
0x3f: {  	v6 =	vor.u32 s10, v1;
	v4 =	vadd.s32 $0xFFFFFFFF, v5;
	v5 =	vadd.s32 v15, v14;
	(xrf0) =	vadd.scan.msk.s32 $0xffff, v7  }
0x40: {  	v7 =	vsel vm0, $0x1, v0;
	vm6 =	veq.f32 v9, v2;
	[tilespmem:s9+$0xFFFFFFC0] =	vst v0;
	v9 =	vadd.s32 v13, v15;
	v11, _, _ =	vpop (xrf0)  }
0x41: {  	v5 =	vadd.s32 $0xFFFFFFFF, v5;
	v11 =	vadd.s32 v9, v11;
	v8 =	vadd.s32 v8, v9;
	(xrf0) =	vadd.scan.msk.s32 $0xffff, v7  }
0x42: {  	v9 =	vsel vm6, $0x1, v0;
	[tilespmem:v3+s6+$0x0] =	vst.idx.msk vm7, v10;
	v3 =	vadd.s32 $0xFFFFFFFF, v11;
	v7 =	vadd.s32 v12, v8;
	v10, _, _ =	vpop (xrf0)  }
0x43: {  	_ =	sdelay $0x3  }
0x44: {  	[tilespmem:s4+$0xFFFFFFD0] =	vst v0;
	(xrf0) =	vadd.scan.msk.s32 $0xffff, v9  }
0x45: {  	v2 =	vadd.s32 v8, v10;
	s3 =	sadd.s32 $0xFFFFFFB0, s7;
	[tilespmem:v4+s6+$0x0] =	vst.idx.msk vm5, v6  }
0x46: {  	v50 =	vmpcnt.ones.xlane vm4;
	v51 =	vor.u32 s3, v1;
	v2 =	vadd.s32 $0xFFFFFFFF, v2;
	[tilespmem:s4+$0xFFFFFFE0] =	vst v0;
	v52, _, _ =	vpop (xrf0)  }
0x47: {  	s24 =	sadd.s32 $0xFFFFFFC0, s7;
	v53 =	vmpcnt.ones.xlane vm0;
	[tilespmem:v5+s6+$0x0] =	vst.idx.msk vm3, v51;
	v54 =	vadd.s32 v7, v52  }
0x48: {  	v55 =	vor.u32 s24, v1;
	v4 =	vadd.s32 v50, v7;
	[tilespmem:s4+$0xFFFFFFF0] =	vst v0;
	v5 =	vadd.s32 $0xFFFFFFFF, v54;
	v56, _, _ =	vpop (xrf0)  }
0x49: {  	s25 =	sadd.s32 $0xFFFFFFD0, s7;
	[tilespmem:v3+s6+$0x0] =	vst.idx.msk vm2, v55;
	v57 =	vadd.s32 v4, v56  }
0x4a: {  	v58 =	vor.u32 s25, v1;
	v4 =	vadd.s32 v53, v4;
	[tilespmem:s4+$0x0] =	vst v0;
	v3 =	vadd.s32 $0xFFFFFFFF, v57;
	v59, _, _ =	vpop (xrf0)  }
0x4b: {  	s26 =	sadd.s32 $0xFFFFFFE0, s7;
	[tilespmem:v2+s6+$0x0] =	vst.idx.msk vm1, v58;
	v60 =	vadd.s32 v4, v59  }
0x4c: {  	v61 =	vor.u32 s26, v1;
	[tilespmem:s4+$0x10] =	vst v0;
	v2 =	vadd.s32 $0xFFFFFFFF, v60  }
0x4d: {  	s28 =	sadd.s32 $0xFFFFFFF0, s7;
	[tilespmem:v5+s6+$0x0] =	vst.idx.msk vm4, v61  }
0x4e: {  	v62 =	vor.u32 s28, v1;
	[tilespmem:s4+$0x20] =	vst v0  }
0x4f: {  	[tilespmem:v3+s6+$0x0] =	vst.idx.msk vm0, v62  }
0x50: {  	v63 =	vor.u32 s7, v1;
	s2 =	sadd.s32 s5, s2;
	[tilespmem:s4+$0x30] =	vst v0  }
0x51: {  	s29 =	simm.s32 $0x0;
	s30 =	simm.s32 $0x1000;
	s31 =	simm.s32 $0x1;
	[tilespmem:v2+s6+$0x0] =	vst.idx.msk vm6, v63  }
0x52: {  	[hbm4b:s2+s29] =	stream.linear.scatter [tilespmem:s30], [sflag:$0x1], $0x1000, $0x38;
	[tilespmem:$0x2010] =	vst v63  }
0x53: {  	_ =	swait.ge [sflag:s31], $0x1000  }
0x54: {  	[sflag:s31] =	ssyncset.done $0x0  }
0x55: {  	[sflag:s31] =	ssyncadd.s32 $0xFFFFF000  }
0x56: {  	_ =	sfence.sel $0x180000  }
0x57: {  	[bflag:$0x0] =	sbarrier.arrive $0xFFFF  }
0x58: {  	p0 =	sne.s32 s1, $0x0;
	_ =	strace $0x90000047  }
0x59: {  	s0 =	sadd.s32 @!p0 $0x100000, s0;
	[bflag:$0x2] =	sbarrier.arrive $0xFFFF  }
0x5a: {  	[sflag:s0] =	ssyncadd.tile.s32 @!p0 $0x1;
	_ =	shalt  }
.Lfunc_end2:
_tile_overlayer_lowered:
.L_overlay_start_2:
0x5b: {  	(tag) =	ssettag $0x2  }
0x5c: {  	s0 =	rddreg [dreg:$0x0];
	s2 =	stileid.u32  }
0x5d: {  	s1 =	rddreg [dreg:$0x1];
	p0 =	sne.s32 s2, $0x0  }
0x5e: {  	s3 =	rddreg [dreg:$0x2];
	[bflag:$0x3] =	sbarrier.arrive $0xFFFF;
	s2 =	simm.s32 @!p0 $0x1C01  }
0x5f: {  	[timem:s3], [sflag:s2] =	dma.local @!p0 [hbm:s0], s1  }
0x60: {  	s0 =	simm.s32 @!p0 $0x1  }
0x61: {  	_ =	swait.ge @!p0 [sflag:s0], s1  }
0x62: {  	s1 =	ssub.s32 @!p0 $0x0, s1;
	[sflag:s0] =	ssyncset.done @!p0 $0x0  }
0x63: {  	[sflag:s0] =	ssyncadd.s32 @!p0 s1  }
0x64: {  	[bflag:$0x3] =	sbarrier.arrive $0xFFFF  }
0x65: {  	_ =	shalt  }

</sc_bundles>
